<compile_context>
chip_gen: v7x
topology: tpu7x:2x2x1
jax: 0.10.2.dev20260603
libtpu: 0.0.44.dev20260713+nightly
codegen_flags: <defaults>
</compile_context>

<pallas_src>
import functools

import jax
import jax.numpy as jnp
from jax import lax
from jax.experimental import pallas as pl
from jax.experimental.pallas import tpu as pltpu, tpu_sc as plsc

N_POINTS = 4096
HIDDEN = 1024
Z_MIN, Z_MAX = -3.0, 3.0
C = 1.0
DT = (Z_MAX - Z_MIN) / (N_POINTS - 1)
INV_DT = 1.0 / DT

COLS = 4096
GRID = N_POINTS // COLS

NB = 16384
NW = 32
CHUNK = NB // NW
LANES = 16

_PREC = lax.Precision.HIGHEST
_MLP_PREC = lax.Precision.DEFAULT


def _mlp_body(W1_ref, b1_ref, W2_ref, b2_ref, W3_ref, b3_ref,
              w_ref, F_ref, wacc_ref):
    i = pl.program_id(0)
    row = lax.broadcasted_iota(jnp.int32, (COLS, 1), 0) + i * COLS
    t = Z_MIN + row.astype(jnp.float32) * DT
    h = jnp.tanh(
        lax.dot_general(t, W1_ref[...], (((1,), (1,)), ((), ())),
                        preferred_element_type=jnp.float32,
                        precision=_MLP_PREC)
        + b1_ref[...])
    h = jnp.tanh(
        lax.dot_general(h.astype(jnp.bfloat16), W2_ref[...],
                        (((1,), (1,)), ((), ())),
                        preferred_element_type=jnp.float32,
                        precision=_MLP_PREC)
        + b2_ref[...])
    W3b = jnp.broadcast_to(W3_ref[...], (8, HIDDEN))
    g8 = lax.dot_general(W3b, h, (((1,), (1,)), ((), ())),
                         preferred_element_type=jnp.float32,
                         precision=_MLP_PREC)
    g = g8[0:1, :] + b3_ref[0, 0]
    w = jnp.exp(jnp.clip(g, -C, C))
    wacc_ref[pl.ds(i * (COLS // 128), COLS // 128), :] = w.reshape(COLS // 128, 128)

    @pl.when(i == GRID - 1)
    def _scan():
        X = wacc_ref[...]
        w_ref[...] = X
        k = lax.broadcasted_iota(jnp.int32, (128, 128), 0)
        j = lax.broadcasted_iota(jnp.int32, (128, 128), 1)
        U = (k < j).astype(jnp.float32)
        row_excl = lax.dot_general(X, U, (((1,), (0,)), ((), ())),
                                   preferred_element_type=jnp.float32,
                                   precision=_PREC)
        r = jnp.broadcast_to(jnp.sum(X, axis=1, keepdims=True), (32, 8))
        ii = lax.broadcasted_iota(jnp.int32, (32, 32), 0)
        mm = lax.broadcasted_iota(jnp.int32, (32, 32), 1)
        V = (mm < ii).astype(jnp.float32)
        roffs = lax.dot_general(V, r[:, :8], (((1,), (0,)), ((), ())),
                                preferred_element_type=jnp.float32,
                                precision=_PREC)
        E = row_excl + roffs[:, 0:1]
        w00 = X[0, 0]
        F_ref[...] = DT * E + (0.5 * DT) * (X - w00)


_sc_mesh = plsc.VectorSubcoreMesh(core_axis_name="c", subcore_axis_name="s")


@functools.partial(
    pl.kernel,
    mesh=_sc_mesh,
    compiler_params=pltpu.CompilerParams(needs_layout_passes=False),
    out_type=jax.ShapeDtypeStruct((128, 128), jnp.float32),
    scratch_types=[
        pltpu.VMEM((N_POINTS,), jnp.float32),
        pltpu.VMEM((N_POINTS,), jnp.float32),
        pltpu.VMEM((CHUNK // 128, 128), jnp.float32),
        pltpu.VMEM((CHUNK // 128, 128), jnp.float32),
    ],
)
def _gather_lerp(F_hbm, w_hbm, z_hbm, out_hbm, F_v, w_v, z_v, o_v):
    wid = lax.axis_index("s") * 2 + lax.axis_index("c")
    base = wid * CHUNK
    pltpu.sync_copy(F_hbm, F_v)
    pltpu.sync_copy(w_hbm, w_v)
    pltpu.sync_copy(z_hbm.at[pl.ds(wid * (CHUNK // 128), CHUNK // 128), :], z_v)
    w_head = w_v[pl.ds(0, LANES)]
    w_tail = w_v[pl.ds(N_POINTS - LANES, LANES)]
    F_tail = F_v[pl.ds(N_POINTS - LANES, LANES)]
    w0 = w_head[0]
    wN = w_tail[LANES - 1]
    FN = F_tail[LANES - 1]

    def body(i, carry):
        zv = z_v[i // 8, pl.ds((i % 8) * LANES, LANES)]
        pos = (zv - Z_MIN) * INV_DT
        idx = jnp.clip(pos.astype(jnp.int32), 0, N_POINTS - 2)
        frac = jnp.clip(pos - idx.astype(jnp.float32), 0.0, 1.0)
        F_lo = plsc.load_gather(F_v, [idx])
        w_lo = plsc.load_gather(w_v, [idx])
        F_mid = F_lo + frac * w_lo * DT
        F_low = (zv - Z_MIN) * w0
        F_high = FN + (zv - Z_MAX) * wN
        fz = jnp.where(zv < Z_MIN, F_low, jnp.where(zv > Z_MAX, F_high, F_mid))
        o_v[i // 8, pl.ds((i % 8) * LANES, LANES)] = fz
        return carry

    lax.fori_loop(0, CHUNK // LANES, body, 0)
    pltpu.sync_copy(o_v, out_hbm.at[pl.ds(wid * (CHUNK // 128), CHUNK // 128), :])


def _norm_body(Fz_ref, a_ref, b_ref, out_ref):
    X = Fz_ref[...]
    mu = jnp.sum(X) * (1.0 / NB)
    d = X - mu
    var = jnp.sum(d * d) * (1.0 / (NB - 1))
    sigma = jnp.maximum(jnp.sqrt(var), 0.001)
    ar = a_ref[0, 0]
    a = jnp.maximum(ar, 0.0) + jnp.log(1.0 + jnp.exp(-jnp.abs(ar))) + 0.001
    out_ref[...] = (a / (sigma + 1e-6)) * d + b_ref[0, 0]


def kernel(z, W1, b1, W2, b2, W3, b3, a_raw, b_out):
    H = HIDDEN
    b1r = b1.reshape(1, H)
    b2r = b2.reshape(1, H)
    b3r = b3.reshape(1, 1)

    full = lambda shape: pl.BlockSpec(shape, lambda i: (0, 0))
    w2d, F2d = pl.pallas_call(
        _mlp_body,
        grid=(GRID,),
        in_specs=[full((H, 1)), full((1, H)), full((H, H)), full((1, H)),
                  full((1, H)), full((1, 1))],

        out_specs=[full((32, 128)),
                   full((32, 128))],
        out_shape=[jax.ShapeDtypeStruct((32, 128), jnp.float32),
                   jax.ShapeDtypeStruct((32, 128), jnp.float32)],
        scratch_shapes=[pltpu.VMEM((32, 128), jnp.float32)],
    )(W1, b1r, W2.astype(jnp.bfloat16), b2r, W3, b3r)

    Fz2d = _gather_lerp(F2d.reshape(N_POINTS), w2d.reshape(N_POINTS),
                        z.reshape(128, 128))

    out2d = pl.pallas_call(
        _norm_body,
        out_shape=jax.ShapeDtypeStruct((128, 128), jnp.float32),
    )(Fz2d, a_raw.reshape(1, 1), b_out.reshape(1, 1))
    return out2d.reshape(z.shape)

# --- scband reference (transcript-rebuilt; emitter-appended) ---
"""Pipeline reference for scband-integral-of-exp-warp-37417755083509 (READ-ONLY COPY).

The authoritative reference and input builder live on the scoring server;
editing this copy changes nothing except your own understanding.
"""

import jax, jax.numpy as jnp
import numpy as np

N_POINTS = 4096
HIDDEN = 1024
Z_MIN, Z_MAX = -3.0, 3.0
C = 1.0


def setup_inputs(seed: int = 0) -> dict:
    key = jax.random.key(seed)
    ks = jax.random.split(key, 8)
    H = HIDDEN
    # torch Linear default init: U(-1/sqrt(fan_in), 1/sqrt(fan_in))
    b1w = 1.0  # fan_in = 1
    b2w = 1.0 / np.sqrt(H)
    b3w = 1.0 / np.sqrt(H)
    z = jax.random.normal(ks[0], (16384, 1), dtype=jnp.float32)
    W1 = jax.random.uniform(ks[1], (H, 1), minval=-b1w, maxval=b1w, dtype=jnp.float32)
    b1 = jax.random.uniform(ks[2], (H,), minval=-b1w, maxval=b1w, dtype=jnp.float32)
    W2 = jax.random.uniform(ks[3], (H, H), minval=-b2w, maxval=b2w, dtype=jnp.float32)
    b2 = jax.random.uniform(ks[4], (H,), minval=-b2w, maxval=b2w, dtype=jnp.float32)
    W3 = jax.random.uniform(ks[5], (1, H), minval=-b3w, maxval=b3w, dtype=jnp.float32)
    b3 = jax.random.uniform(ks[6], (1,), minval=-b3w, maxval=b3w, dtype=jnp.float32)
    a_raw = jnp.asarray(1.0, dtype=jnp.float32)
    b_out = jnp.asarray(0.0, dtype=jnp.float32)
    return {"z": z, "W1": W1, "b1": b1, "W2": W2, "b2": b2, "W3": W3, "b3": b3, "a_raw": a_raw, "b_out": b_out}


def reference(z, W1, b1, W2, b2, W3, b3, a_raw, b_out):
    n_points = N_POINTS
    dt = (Z_MAX - Z_MIN) / (n_points - 1)
    t = jnp.linspace(Z_MIN, Z_MAX, n_points).astype(jnp.float32)
    # body MLP on the grid
    h = jnp.tanh(t[:, None] @ W1.T + b1)
    h = jnp.tanh(h @ W2.T + b2)
    g = (h @ W3.T + b3).reshape(-1)
    g = jnp.clip(g, -C, C)
    w = jnp.exp(g)
    # trapezoid cumulative integral
    F = jnp.cumsum(0.5 * (w[:-1] + w[1:]) * dt)
    F = jnp.concatenate([jnp.zeros((1,), dtype=F.dtype), F])
    zf = z.reshape(-1)
    pos = (zf - Z_MIN) / dt
    idx = jnp.clip(jnp.floor(pos).astype(jnp.int32), 0, n_points - 2)
    frac = jnp.clip(pos - idx.astype(jnp.float32), 0.0, 1.0)
    F_lo = jnp.take(F, idx)
    w_lo = jnp.take(w, idx)
    F_mid = F_lo + frac * w_lo * dt
    F_low = F[0] + (zf - Z_MIN) * w[0]
    F_high = F[-1] + (zf - Z_MAX) * w[-1]
    Fz = jnp.where(zf < Z_MIN, F_low, jnp.where(zf > Z_MAX, F_high, F_mid)).reshape(z.shape)
    # training-mode first call with numel >= 1024: stats are frozen under no_grad
    mu = jax.lax.stop_gradient(jnp.mean(Fz))
    sigma = jax.lax.stop_gradient(jnp.clip(jnp.std(Fz, ddof=1), 0.001, None))
    Fz_norm = (Fz - mu) / (sigma + 1e-6)
    a = jax.nn.softplus(a_raw) + 0.001
    return a * Fz_norm + b_out

if __name__ == "__main__":
    import jax
    _d = setup_inputs()
    print(jax.jit(kernel)(*tuple(_d.values())))

</pallas_src>

<mosaic_0001>
#map = affine_map<(d0, d1) -> (0)>
#map1 = affine_map<(d0, d1) -> (0, 0)>
module attributes {stable_mosaic.version = 14 : i64} {
  func.func @_gather_lerp(%arg0: i32, %arg1: i32, %arg2: memref<4096xf32, #tpu.memory_space<hbm>>, %arg3: memref<4096xf32, #tpu.memory_space<hbm>>, %arg4: memref<128x128xf32, #tpu.memory_space<hbm>>, %arg5: memref<128x128xf32, #tpu.memory_space<hbm>>, %arg6: memref<4096xf32, #tpu.memory_space<vmem>>, %arg7: memref<4096xf32, #tpu.memory_space<vmem>>, %arg8: memref<4x128xf32, #tpu.memory_space<vmem>>, %arg9: memref<4x128xf32, #tpu.memory_space<vmem>>) attributes {dimension_semantics = [#tpu.dimension_semantics<core_parallel>, #tpu.dimension_semantics<subcore_parallel>], iteration_bounds = array<i64: 2, 16>, scalar_prefetch = 0 : i64, scratch_operands = 4 : i64, tpu.core_type = #tpu.core_type<sc_vector_subcore>, window_params = [{transform_indices = #map}, {transform_indices = #map}, {transform_indices = #map1}, {transform_indices = #map1}]} {
    %mul3A = arith.constant 2 : i32
    %mul3A_0 = arith.muli %arg1, %mul3A : i32
    %add3A = arith.addi %mul3A_0, %arg0 : i32
    %mul3A_1 = arith.constant 512 : i32
    %mul3A_2 = arith.muli %add3A, %mul3A_1 : i32
    "tpu.region"() ({
      %run_scoped3A = tpu.sem_alloc : memref<!tpu.dma_semaphore, #tpu.memory_space<semaphore_mem>>
      tpu.enqueue_dma source(%arg2 : memref<4096xf32, #tpu.memory_space<hbm>>) target(%arg6 : memref<4096xf32, #tpu.memory_space<vmem>>) target_semaphore(%run_scoped3A : memref<!tpu.dma_semaphore, #tpu.memory_space<semaphore_mem>>)
      tpu.wait_dma2 semaphore(%run_scoped3A : memref<!tpu.dma_semaphore, #tpu.memory_space<semaphore_mem>>) src(%arg2 : memref<4096xf32, #tpu.memory_space<hbm>>) dst(%arg6 : memref<4096xf32, #tpu.memory_space<vmem>>)
      tpu.yield
    }) : () -> ()
    "tpu.region"() ({
      %run_scoped3A = tpu.sem_alloc : memref<!tpu.dma_semaphore, #tpu.memory_space<semaphore_mem>>
      tpu.enqueue_dma source(%arg3 : memref<4096xf32, #tpu.memory_space<hbm>>) target(%arg7 : memref<4096xf32, #tpu.memory_space<vmem>>) target_semaphore(%run_scoped3A : memref<!tpu.dma_semaphore, #tpu.memory_space<semaphore_mem>>)
      tpu.wait_dma2 semaphore(%run_scoped3A : memref<!tpu.dma_semaphore, #tpu.memory_space<semaphore_mem>>) src(%arg3 : memref<4096xf32, #tpu.memory_space<hbm>>) dst(%arg7 : memref<4096xf32, #tpu.memory_space<vmem>>)
      tpu.yield
    }) : () -> ()
    %mul3A_3 = arith.constant 4 : i32
    %mul3A_4 = arith.muli %add3A, %mul3A_3 : i32
    "tpu.region"() ({
      %run_scoped3A = tpu.sem_alloc : memref<!tpu.dma_semaphore, #tpu.memory_space<semaphore_mem>>
      %dma_start3A = arith.constant 0 : i32
      %dma_start3A_21 = tpu.memref_slice %arg4[%mul3A_4, %dma_start3A] : memref<128x128xf32, #tpu.memory_space<hbm>> -> memref<4x128xf32, #tpu.memory_space<hbm>>
      %dma_start3A_22 = arith.constant 0 : i32
      %dma_start3A_23 = tpu.memref_slice %arg4[%mul3A_4, %dma_start3A_22] : memref<128x128xf32, #tpu.memory_space<hbm>> -> memref<4x128xf32, #tpu.memory_space<hbm>>
      tpu.enqueue_dma source(%dma_start3A_23 : memref<4x128xf32, #tpu.memory_space<hbm>>) target(%arg8 : memref<4x128xf32, #tpu.memory_space<vmem>>) target_semaphore(%run_scoped3A : memref<!tpu.dma_semaphore, #tpu.memory_space<semaphore_mem>>)
      %dma_wait3A = arith.constant 0 : i32
      %dma_wait3A_24 = tpu.memref_slice %arg4[%mul3A_4, %dma_wait3A] : memref<128x128xf32, #tpu.memory_space<hbm>> -> memref<4x128xf32, #tpu.memory_space<hbm>>
      %dma_wait3A_25 = arith.constant 0 : i32
      %dma_wait3A_26 = tpu.memref_slice %arg4[%mul3A_4, %dma_wait3A_25] : memref<128x128xf32, #tpu.memory_space<hbm>> -> memref<4x128xf32, #tpu.memory_space<hbm>>
      tpu.wait_dma2 semaphore(%run_scoped3A : memref<!tpu.dma_semaphore, #tpu.memory_space<semaphore_mem>>) src(%dma_wait3A_26 : memref<4x128xf32, #tpu.memory_space<hbm>>) dst(%arg8 : memref<4x128xf32, #tpu.memory_space<vmem>>)
      tpu.yield
    }) : () -> ()
    %get3A = arith.constant 0 : index
    %get3A_5 = tpu.vector_load %arg7[%get3A] {strides = array<i32>} : memref<4096xf32, #tpu.memory_space<vmem>>, vector<16xf32>,
    %get3A_6 = arith.constant 4080 : index
    %get3A_7 = tpu.vector_load %arg7[%get3A_6] {strides = array<i32>} : memref<4096xf32, #tpu.memory_space<vmem>>, vector<16xf32>,
    %get3A_8 = arith.constant 4080 : index
    %get3A_9 = tpu.vector_load %arg6[%get3A_8] {strides = array<i32>} : memref<4096xf32, #tpu.memory_space<vmem>>, vector<16xf32>,
    %slice3A = vector.extract_strided_slice %get3A_5 {offsets = [0], sizes = [1], strides = [1]} : vector<16xf32> to vector<1xf32>
    %squeeze3A = vector.extract %slice3A[0] : f32 from vector<1xf32>
    %slice3A_10 = vector.extract_strided_slice %get3A_7 {offsets = [15], sizes = [1], strides = [1]} : vector<16xf32> to vector<1xf32>
    %squeeze3A_11 = vector.extract %slice3A_10[0] : f32 from vector<1xf32>
    %slice3A_12 = vector.extract_strided_slice %get3A_9 {offsets = [15], sizes = [1], strides = [1]} : vector<16xf32> to vector<1xf32>
    %squeeze3A_13 = vector.extract %slice3A_12[0] : f32 from vector<1xf32>
    %scan3A = arith.constant 0 : i32
    %scan3A_14 = arith.constant 0 : i32
    %scan3A_15 = arith.constant 32 : i32
    %scan3A_16 = arith.addi %scan3A_14, %scan3A_15 : i32
    %scan3A_17 = arith.constant 1 : i32
    scf.for %scan3A_21 = %scan3A_14 to %scan3A_16 step %scan3A_17  : i32 {
      %jit3A = arith.constant 8 : i32
      %div3A = arith.divsi %scan3A_21, %jit3A : i32
      %sign3A = arith.constant 0 : i32
      %sign3A_22 = arith.cmpi sgt, %scan3A_21, %sign3A : i32
      %sign3A_23 = arith.extui %sign3A_22 : i1 to i32
      %sign3A_24 = arith.constant 0 : i32
      %sign3A_25 = arith.cmpi slt, %scan3A_21, %sign3A_24 : i32
      %sign3A_26 = arith.extui %sign3A_25 : i1 to i32
      %sign3A_27 = arith.subi %sign3A_23, %sign3A_26 : i32
      %sign3A_28 = arith.constant 0 : i32
      %sign3A_29 = arith.cmpi sgt, %jit3A, %sign3A_28 : i32
      %sign3A_30 = arith.extui %sign3A_29 : i1 to i32
      %sign3A_31 = arith.constant 0 : i32
      %sign3A_32 = arith.cmpi slt, %jit3A, %sign3A_31 : i32
      %sign3A_33 = arith.extui %sign3A_32 : i1 to i32
      %sign3A_34 = arith.subi %sign3A_30, %sign3A_33 : i32
      %ne3A = arith.cmpi ne, %sign3A_27, %sign3A_34 : i32
      %rem3A = arith.remsi %scan3A_21, %jit3A : i32
      %ne3A_35 = arith.constant 0 : i32
      %ne3A_36 = arith.cmpi ne, %rem3A, %ne3A_35 : i32
      %and3A = arith.andi %ne3A, %ne3A_36 : i1
      %sub3A = arith.constant 1 : i32
      %sub3A_37 = arith.subi %div3A, %sub3A : i32
      %select_n3A = arith.select %and3A, %sub3A_37, %div3A : i32
      %jit3A_38 = arith.constant 8 : i32
      %eq3A = arith.constant 0 : i32
      %eq3A_39 = arith.cmpi eq, %jit3A_38, %eq3A : i32
      %jit3A_40 = arith.constant 1 : i32
      %select_n3A_41 = arith.select %eq3A_39, %jit3A_40, %jit3A_38 : i32
      %rem3A_42 = arith.remsi %scan3A_21, %select_n3A_41 : i32
      %ne3A_43 = arith.constant 0 : i32
      %ne3A_44 = arith.cmpi ne, %rem3A_42, %ne3A_43 : i32
      %lt3A = arith.constant 0 : i32
      %lt3A_45 = arith.cmpi slt, %rem3A_42, %lt3A : i32
      %lt3A_46 = arith.constant 0 : i32
      %lt3A_47 = arith.cmpi slt, %select_n3A_41, %lt3A_46 : i32
      %ne3A_48 = arith.xori %lt3A_45, %lt3A_47 : i1
      %and3A_49 = arith.andi %ne3A_48, %ne3A_44 : i1
      %add3A_50 = arith.addi %rem3A_42, %select_n3A_41 : i32
      %select_n3A_51 = arith.select %and3A_49, %add3A_50, %rem3A_42 : i32
      %mul3A_52 = arith.constant 16 : i32
      %mul3A_53 = arith.muli %select_n3A_51, %mul3A_52 : i32
      %get3A_54 = arith.index_cast %select_n3A : i32 to index
      %get3A_55 = arith.index_cast %mul3A_53 : i32 to index
      %get3A_56 = tpu.vector_load %arg8[%get3A_54, %get3A_55] {strides = array<i32>} : memref<4x128xf32, #tpu.memory_space<vmem>>, vector<16xf32>,
      %sub3A_57 = arith.constant -3.000000e+00 : f32
      %sub3A_58 = vector.broadcast %sub3A_57 : f32 to vector<16xf32>
      %sub3A_59 = arith.subf %get3A_56, %sub3A_58 : vector<16xf32>
      %mul3A_60 = arith.constant 6.825000e+02 : f32
      %mul3A_61 = vector.broadcast %mul3A_60 : f32 to vector<16xf32>
      %mul3A_62 = arith.mulf %sub3A_59, %mul3A_61 : vector<16xf32>
      %convert_element_type3A = arith.fptosi %mul3A_62 : vector<16xf32> to vector<16xi32>
      %jit3A_63 = arith.constant 0 : i32
      %jit3A_64 = arith.constant 4094 : i32
      %max3A = vector.broadcast %jit3A_63 : i32 to vector<16xi32>
      %max3A_65 = arith.maxsi %max3A, %convert_element_type3A : vector<16xi32>
      %min3A = vector.broadcast %jit3A_64 : i32 to vector<16xi32>
      %min3A_66 = arith.minsi %min3A, %max3A_65 : vector<16xi32>
      %convert_element_type3A_67 = arith.sitofp %min3A_66 : vector<16xi32> to vector<16xf32>
      %sub3A_68 = arith.subf %mul3A_62, %convert_element_type3A_67 : vector<16xf32>
      %jit3A_69 = arith.constant 0.000000e+00 : f32
      %jit3A_70 = arith.constant 1.000000e+00 : f32
      %max3A_71 = vector.broadcast %jit3A_69 : f32 to vector<16xf32>
      %max3A_72 = arith.maximumf %max3A_71, %sub3A_68 : vector<16xf32>
      %min3A_73 = vector.broadcast %jit3A_70 : f32 to vector<16xf32>
      %min3A_74 = arith.minimumf %min3A_73, %max3A_72 : vector<16xf32>
      %gather3A = tpu.vector_load_idx %arg6[%min3A_66] : memref<4096xf32, #tpu.memory_space<vmem>>[vector<16xi32>], vector<16xf32>,
      %gather3A_75 = tpu.vector_load_idx %arg7[%min3A_66] : memref<4096xf32, #tpu.memory_space<vmem>>[vector<16xi32>], vector<16xf32>,
      %mul3A_76 = arith.mulf %min3A_74, %gather3A_75 : vector<16xf32>
      %mul3A_77 = arith.constant 0.00146520149 : f32
      %mul3A_78 = vector.broadcast %mul3A_77 : f32 to vector<16xf32>
      %mul3A_79 = arith.mulf %mul3A_76, %mul3A_78 : vector<16xf32>
      %add3A_80 = arith.addf %gather3A, %mul3A_79 : vector<16xf32>
      %sub3A_81 = arith.constant -3.000000e+00 : f32
      %sub3A_82 = vector.broadcast %sub3A_81 : f32 to vector<16xf32>
      %sub3A_83 = arith.subf %get3A_56, %sub3A_82 : vector<16xf32>
      %mul3A_84 = vector.broadcast %squeeze3A : f32 to vector<16xf32>
      %mul3A_85 = arith.mulf %sub3A_83, %mul3A_84 : vector<16xf32>
      %sub3A_86 = arith.constant 3.000000e+00 : f32
      %sub3A_87 = vector.broadcast %sub3A_86 : f32 to vector<16xf32>
      %sub3A_88 = arith.subf %get3A_56, %sub3A_87 : vector<16xf32>
      %mul3A_89 = vector.broadcast %squeeze3A_11 : f32 to vector<16xf32>
      %mul3A_90 = arith.mulf %sub3A_88, %mul3A_89 : vector<16xf32>
      %add3A_91 = vector.broadcast %squeeze3A_13 : f32 to vector<16xf32>
      %add3A_92 = arith.addf %add3A_91, %mul3A_90 : vector<16xf32>
      %lt3A_93 = arith.constant -3.000000e+00 : f32
      %lt3A_94 = vector.broadcast %lt3A_93 : f32 to vector<16xf32>
      %lt3A_95 = arith.cmpf olt, %get3A_56, %lt3A_94 : vector<16xf32>
      %gt3A = arith.constant 3.000000e+00 : f32
      %gt3A_96 = vector.broadcast %gt3A : f32 to vector<16xf32>
      %gt3A_97 = arith.cmpf ogt, %get3A_56, %gt3A_96 : vector<16xf32>
      %select_n3A_98 = arith.select %gt3A_97, %add3A_92, %add3A_80 : vector<16xi1>, vector<16xf32>
      %select_n3A_99 = arith.select %lt3A_95, %mul3A_85, %select_n3A_98 : vector<16xi1>, vector<16xf32>
      %jit3A_100 = arith.constant 8 : i32
      %div3A_101 = arith.divsi %scan3A_21, %jit3A_100 : i32
      %sign3A_102 = arith.constant 0 : i32
      %sign3A_103 = arith.cmpi sgt, %scan3A_21, %sign3A_102 : i32
      %sign3A_104 = arith.extui %sign3A_103 : i1 to i32
      %sign3A_105 = arith.constant 0 : i32
      %sign3A_106 = arith.cmpi slt, %scan3A_21, %sign3A_105 : i32
      %sign3A_107 = arith.extui %sign3A_106 : i1 to i32
      %sign3A_108 = arith.subi %sign3A_104, %sign3A_107 : i32
      %sign3A_109 = arith.constant 0 : i32
      %sign3A_110 = arith.cmpi sgt, %jit3A_100, %sign3A_109 : i32
      %sign3A_111 = arith.extui %sign3A_110 : i1 to i32
      %sign3A_112 = arith.constant 0 : i32
      %sign3A_113 = arith.cmpi slt, %jit3A_100, %sign3A_112 : i32
      %sign3A_114 = arith.extui %sign3A_113 : i1 to i32
      %sign3A_115 = arith.subi %sign3A_111, %sign3A_114 : i32
      %ne3A_116 = arith.cmpi ne, %sign3A_108, %sign3A_115 : i32
      %rem3A_117 = arith.remsi %scan3A_21, %jit3A_100 : i32
      %ne3A_118 = arith.constant 0 : i32
      %ne3A_119 = arith.cmpi ne, %rem3A_117, %ne3A_118 : i32
      %and3A_120 = arith.andi %ne3A_116, %ne3A_119 : i1
      %sub3A_121 = arith.constant 1 : i32
      %sub3A_122 = arith.subi %div3A_101, %sub3A_121 : i32
      %select_n3A_123 = arith.select %and3A_120, %sub3A_122, %div3A_101 : i32
      %jit3A_124 = arith.constant 8 : i32
      %eq3A_125 = arith.constant 0 : i32
      %eq3A_126 = arith.cmpi eq, %jit3A_124, %eq3A_125 : i32
      %jit3A_127 = arith.constant 1 : i32
      %select_n3A_128 = arith.select %eq3A_126, %jit3A_127, %jit3A_124 : i32
      %rem3A_129 = arith.remsi %scan3A_21, %select_n3A_128 : i32
      %ne3A_130 = arith.constant 0 : i32
      %ne3A_131 = arith.cmpi ne, %rem3A_129, %ne3A_130 : i32
      %lt3A_132 = arith.constant 0 : i32
      %lt3A_133 = arith.cmpi slt, %rem3A_129, %lt3A_132 : i32
      %lt3A_134 = arith.constant 0 : i32
      %lt3A_135 = arith.cmpi slt, %select_n3A_128, %lt3A_134 : i32
      %ne3A_136 = arith.xori %lt3A_133, %lt3A_135 : i1
      %and3A_137 = arith.andi %ne3A_136, %ne3A_131 : i1
      %add3A_138 = arith.addi %rem3A_129, %select_n3A_128 : i32
      %select_n3A_139 = arith.select %and3A_137, %add3A_138, %rem3A_129 : i32
      %mul3A_140 = arith.constant 16 : i32
      %mul3A_141 = arith.muli %select_n3A_139, %mul3A_140 : i32
      %swap3A = arith.index_cast %select_n3A_123 : i32 to index
      %swap3A_142 = arith.index_cast %mul3A_141 : i32 to index
      %swap3A_143 = tpu.vector_load %arg9[%swap3A, %swap3A_142] {strides = array<i32>} : memref<4x128xf32, #tpu.memory_space<vmem>>, vector<16xf32>,
      tpu.vector_store %arg9[%swap3A, %swap3A_142], %select_n3A_99 {strides = array<i32>} : memref<4x128xf32, #tpu.memory_space<vmem>>, vector<16xf32>,
    }
    %scan3A_18 = arith.constant 32 : i32
    %mul3A_19 = arith.constant 4 : i32
    %mul3A_20 = arith.muli %add3A, %mul3A_19 : i32
    "tpu.region"() ({
      %run_scoped3A = tpu.sem_alloc : memref<!tpu.dma_semaphore, #tpu.memory_space<semaphore_mem>>
      %dma_start3A = arith.constant 0 : i32
      %dma_start3A_21 = tpu.memref_slice %arg5[%mul3A_20, %dma_start3A] : memref<128x128xf32, #tpu.memory_space<hbm>> -> memref<4x128xf32, #tpu.memory_space<hbm>>
      %dma_start3A_22 = arith.constant 0 : i32
      %dma_start3A_23 = tpu.memref_slice %arg5[%mul3A_20, %dma_start3A_22] : memref<128x128xf32, #tpu.memory_space<hbm>> -> memref<4x128xf32, #tpu.memory_space<hbm>>
      tpu.enqueue_dma source(%arg9 : memref<4x128xf32, #tpu.memory_space<vmem>>) target(%dma_start3A_23 : memref<4x128xf32, #tpu.memory_space<hbm>>) target_semaphore(%run_scoped3A : memref<!tpu.dma_semaphore, #tpu.memory_space<semaphore_mem>>)
      %dma_wait3A = arith.constant 0 : i32
      %dma_wait3A_24 = tpu.memref_slice %arg5[%mul3A_20, %dma_wait3A] : memref<128x128xf32, #tpu.memory_space<hbm>> -> memref<4x128xf32, #tpu.memory_space<hbm>>
      %dma_wait3A_25 = arith.constant 0 : i32
      %dma_wait3A_26 = tpu.memref_slice %arg5[%mul3A_20, %dma_wait3A_25] : memref<128x128xf32, #tpu.memory_space<hbm>> -> memref<4x128xf32, #tpu.memory_space<hbm>>
      tpu.wait_dma2 semaphore(%run_scoped3A : memref<!tpu.dma_semaphore, #tpu.memory_space<semaphore_mem>>) src(%arg9 : memref<4x128xf32, #tpu.memory_space<vmem>>) dst(%dma_wait3A_26 : memref<4x128xf32, #tpu.memory_space<hbm>>)
      tpu.yield
    }) : () -> ()
    return
  }
}

module attributes {stable_mosaic.version = 14 : i64} {
  func.func @_mlp_body(%arg0: i32, %arg1: memref<1024x1xf32, #tpu.memory_space<vmem>>, %arg2: memref<1x1024xf32, #tpu.memory_space<vmem>>, %arg3: memref<1024x1024xbf16, #tpu.memory_space<vmem>>, %arg4: memref<1x1024xf32, #tpu.memory_space<vmem>>, %arg5: memref<1x1024xf32, #tpu.memory_space<vmem>>, %arg6: memref<1x1xf32, #tpu.memory_space<vmem>>, %arg7: memref<32x128xf32, #tpu.memory_space<vmem>>, %arg8: memref<32x128xf32, #tpu.memory_space<vmem>>, %arg9: memref<32x128xf32, #tpu.memory_space<vmem>>) attributes {dimension_semantics = [#tpu.dimension_semantics<arbitrary>], iteration_bounds = array<i64: 1>, scalar_prefetch = 0 : i64, scratch_operands = 1 : i64, tpu.core_type = #tpu.core_type<tc>, window_params = [{pipeline_mode = #tpu.pipeline_mode<synchronous>, transform_indices = @transform_0, window_bounds = array<i64: 1024, 1>}, {pipeline_mode = #tpu.pipeline_mode<synchronous>, transform_indices = @transform_1, window_bounds = array<i64: 1, 1024>}, {pipeline_mode = #tpu.pipeline_mode<synchronous>, transform_indices = @transform_2, window_bounds = array<i64: 1024, 1024>}, {pipeline_mode = #tpu.pipeline_mode<synchronous>, transform_indices = @transform_3, window_bounds = array<i64: 1, 1024>}, {pipeline_mode = #tpu.pipeline_mode<synchronous>, transform_indices = @transform_4, window_bounds = array<i64: 1, 1024>}, {pipeline_mode = #tpu.pipeline_mode<synchronous>, transform_indices = @transform_5, window_bounds = array<i64: 1, 1>}, {pipeline_mode = #tpu.pipeline_mode<synchronous>, transform_indices = @transform_6, window_bounds = array<i64: 32, 128>}, {pipeline_mode = #tpu.pipeline_mode<synchronous>, transform_indices = @transform_7, window_bounds = array<i64: 32, 128>}]} {
    %iota3A = tpu.iota {dimensions = array<i32: 0>} : vector<4096x1xi32>
    %mul3A = arith.constant 4096 : i32
    %mul3A_0 = arith.muli %arg0, %mul3A : i32
    %add3A = vector.broadcast %mul3A_0 : i32 to vector<4096x1xi32>
    %add3A_1 = arith.addi %iota3A, %add3A : vector<4096x1xi32>
    %convert_element_type3A = arith.sitofp %add3A_1 : vector<4096x1xi32> to vector<4096x1xf32>
    %mul3A_2 = arith.constant 0.00146520149 : f32
    %mul3A_3 = vector.broadcast %mul3A_2 : f32 to vector<4096x1xf32>
    %mul3A_4 = arith.mulf %convert_element_type3A, %mul3A_3 : vector<4096x1xf32>
    %add3A_5 = arith.constant -3.000000e+00 : f32
    %add3A_6 = vector.broadcast %add3A_5 : f32 to vector<4096x1xf32>
    %add3A_7 = arith.addf %add3A_6, %mul3A_4 : vector<4096x1xf32>
    %get3A = arith.constant 0 : index
    %get3A_8 = arith.constant 0 : index
    %get3A_9 = vector.load %arg1[%get3A, %get3A_8] : memref<1024x1xf32, #tpu.memory_space<vmem>>, vector<1024x1xf32>
    %dot_general3A = arith.constant dense<0.000000e+00> : vector<4096x1024xf32>
    %dot_general3A_10 = tpu.matmul %add3A_7, %get3A_9, %dot_general3A {dimension_numbers = #tpu.dot_dimension_numbers<[1], [1], [0], [0], [0, 0, 1, 0], [], []>, transpose_lhs_hint = false} : vector<4096x1xf32>, vector<1024x1xf32>, vector<4096x1024xf32> -> vector<4096x1024xf32>
    %get3A_11 = arith.constant 0 : index
    %get3A_12 = arith.constant 0 : index
    %get3A_13 = vector.load %arg2[%get3A_11, %get3A_12] : memref<1x1024xf32, #tpu.memory_space<vmem>>, vector<1x1024xf32>
    %add3A_14 = vector.broadcast %get3A_13 : vector<1x1024xf32> to vector<4096x1024xf32>
    %add3A_15 = arith.addf %dot_general3A_10, %add3A_14 : vector<4096x1024xf32>
    %tanh3A = math.tanh %add3A_15 : vector<4096x1024xf32>
    %convert_element_type3A_16 = arith.truncf %tanh3A : vector<4096x1024xf32> to vector<4096x1024xbf16>
    %get3A_17 = arith.constant 0 : index
    %get3A_18 = arith.constant 0 : index
    %get3A_19 = vector.load %arg3[%get3A_17, %get3A_18] : memref<1024x1024xbf16, #tpu.memory_space<vmem>>, vector<1024x1024xbf16>
    %dot_general3A_20 = arith.constant dense<0.000000e+00> : vector<4096x1024xf32>
    %dot_general3A_21 = tpu.matmul %convert_element_type3A_16, %get3A_19, %dot_general3A_20 {dimension_numbers = #tpu.dot_dimension_numbers<[1], [1], [0], [0], [0, 0, 1, 0], [], []>, transpose_lhs_hint = false} : vector<4096x1024xbf16>, vector<1024x1024xbf16>, vector<4096x1024xf32> -> vector<4096x1024xf32>
    %get3A_22 = arith.constant 0 : index
    %get3A_23 = arith.constant 0 : index
    %get3A_24 = vector.load %arg4[%get3A_22, %get3A_23] : memref<1x1024xf32, #tpu.memory_space<vmem>>, vector<1x1024xf32>
    %add3A_25 = vector.broadcast %get3A_24 : vector<1x1024xf32> to vector<4096x1024xf32>
    %add3A_26 = arith.addf %dot_general3A_21, %add3A_25 : vector<4096x1024xf32>
    %tanh3A_27 = math.tanh %add3A_26 : vector<4096x1024xf32>
    %get3A_28 = arith.constant 0 : index
    %get3A_29 = arith.constant 0 : index
    %get3A_30 = vector.load %arg5[%get3A_28, %get3A_29] : memref<1x1024xf32, #tpu.memory_space<vmem>>, vector<1x1024xf32>
    %broadcast_in_dim3A = vector.shape_cast %get3A_30 : vector<1x1024xf32> to vector<1x1024xf32>
    %broadcast_in_dim3A_31 = vector.broadcast %broadcast_in_dim3A : vector<1x1024xf32> to vector<8x1024xf32>
    %dot_general3A_32 = arith.constant dense<0.000000e+00> : vector<8x4096xf32>
    %dot_general3A_33 = tpu.matmul %broadcast_in_dim3A_31, %tanh3A_27, %dot_general3A_32 {dimension_numbers = #tpu.dot_dimension_numbers<[1], [1], [0], [0], [0, 0, 1, 0], [], []>, transpose_lhs_hint = false} : vector<8x1024xf32>, vector<4096x1024xf32>, vector<8x4096xf32> -> vector<8x4096xf32>
    %slice3A = vector.extract_strided_slice %dot_general3A_33 {offsets = [0, 0], sizes = [1, 4096], strides = [1, 1]} : vector<8x4096xf32> to vector<1x4096xf32>
    %get3A_34 = arith.constant 0 : index
    %get3A_35 = arith.constant 0 : index
    %get3A_36 = vector.load %arg6[%get3A_34, %get3A_35] : memref<1x1xf32, #tpu.memory_space<vmem>>, vector<1x1xf32>
    %get3A_37 = vector.extract %get3A_36[0, 0] : f32 from vector<1x1xf32>
    %add3A_38 = vector.broadcast %get3A_37 : f32 to vector<1x4096xf32>
    %add3A_39 = arith.addf %slice3A, %add3A_38 : vector<1x4096xf32>
    %jit3A = arith.constant -1.000000e+00 : f32
    %jit3A_40 = arith.constant 1.000000e+00 : f32
    %max3A = vector.broadcast %jit3A : f32 to vector<1x4096xf32>
    %max3A_41 = arith.maximumf %max3A, %add3A_39 : vector<1x4096xf32>
    %min3A = vector.broadcast %jit3A_40 : f32 to vector<1x4096xf32>
    %min3A_42 = arith.minimumf %min3A, %max3A_41 : vector<1x4096xf32>
    %exp3A = math.exp %min3A_42 : vector<1x4096xf32>
    %reshape3A = vector.shape_cast %exp3A : vector<1x4096xf32> to vector<32x128xf32>
    %mul3A_43 = arith.constant 32 : i32
    %mul3A_44 = arith.muli %arg0, %mul3A_43 : i32
    %swap3A = arith.index_cast %mul3A_44 : i32 to index
    %swap3A_45 = arith.constant 0 : index
    %swap3A_46 = vector.load %arg9[%swap3A, %swap3A_45] : memref<32x128xf32, #tpu.memory_space<vmem>>, vector<32x128xf32>
    tpu.vector_store %arg9[%swap3A, %swap3A_45], %reshape3A {strides = array<i32>} : memref<32x128xf32, #tpu.memory_space<vmem>>, vector<32x128xf32>,
    %eq3A = arith.constant 0 : i32
    %eq3A_47 = arith.cmpi eq, %arg0, %eq3A : i32
    %convert_element_type3A_48 = arith.extui %eq3A_47 : i1 to i32
    %cond3A = arith.constant 0 : i32
    %cond3A_49 = arith.cmpi ne, %convert_element_type3A_48, %cond3A : i32
    scf.if %cond3A_49 {
      %get3A_50 = arith.constant 0 : index
      %get3A_51 = arith.constant 0 : index
      %get3A_52 = vector.load %arg9[%get3A_50, %get3A_51] : memref<32x128xf32, #tpu.memory_space<vmem>>, vector<32x128xf32>
      %swap3A_53 = arith.constant 0 : index
      %swap3A_54 = arith.constant 0 : index
      %swap3A_55 = vector.load %arg7[%swap3A_53, %swap3A_54] : memref<32x128xf32, #tpu.memory_space<vmem>>, vector<32x128xf32>
      tpu.vector_store %arg7[%swap3A_53, %swap3A_54], %get3A_52 {strides = array<i32>} : memref<32x128xf32, #tpu.memory_space<vmem>>, vector<32x128xf32>,
      %iota3A_56 = tpu.iota {dimensions = array<i32: 0>} : vector<128x128xi32>
      %iota3A_57 = tpu.iota {dimensions = array<i32: 1>} : vector<128x128xi32>
      %lt3A = arith.cmpi slt, %iota3A_56, %iota3A_57 : vector<128x128xi32>
      %convert_element_type3A_58 = arith.extui %lt3A : vector<128x128xi1> to vector<128x128xi32>
      %convert_element_type3A_59 = arith.sitofp %convert_element_type3A_58 : vector<128x128xi32> to vector<128x128xf32>
      %dot_general3A_60 = arith.constant dense<0.000000e+00> : vector<32x128xf32>
      %dot_general3A_61 = tpu.matmul %get3A_52, %convert_element_type3A_59, %dot_general3A_60 {dimension_numbers = #tpu.dot_dimension_numbers<[1], [0], [0], [1], [0, 0, 1, 1], [], []>, precision = #tpu.contract_precision<fp32>, transpose_lhs_hint = false} : vector<32x128xf32>, vector<128x128xf32>, vector<32x128xf32> -> vector<32x128xf32>
      %reduce_sum3A = arith.constant dense<0.000000e+00> : vector<32xf32>
      %reduce_sum3A_62 = vector.multi_reduction <add>, %get3A_52, %reduce_sum3A [1] : vector<32x128xf32> to vector<32xf32>
      %broadcast_in_dim3A_63 = vector.shape_cast %reduce_sum3A_62 : vector<32xf32> to vector<32x1xf32>
      %broadcast_in_dim3A_64 = vector.shape_cast %broadcast_in_dim3A_63 : vector<32x1xf32> to vector<32x1xf32>
      %broadcast_in_dim3A_65 = vector.broadcast %broadcast_in_dim3A_64 : vector<32x1xf32> to vector<32x8xf32>
      %iota3A_66 = tpu.iota {dimensions = array<i32: 0>} : vector<32x32xi32>
      %iota3A_67 = tpu.iota {dimensions = array<i32: 1>} : vector<32x32xi32>
      %lt3A_68 = arith.cmpi slt, %iota3A_67, %iota3A_66 : vector<32x32xi32>
      %convert_element_type3A_69 = arith.extui %lt3A_68 : vector<32x32xi1> to vector<32x32xi32>
      %convert_element_type3A_70 = arith.sitofp %convert_element_type3A_69 : vector<32x32xi32> to vector<32x32xf32>
      %dot_general3A_71 = arith.constant dense<0.000000e+00> : vector<32x8xf32>
      %dot_general3A_72 = tpu.matmul %convert_element_type3A_70, %broadcast_in_dim3A_65, %dot_general3A_71 {dimension_numbers = #tpu.dot_dimension_numbers<[1], [0], [0], [1], [0, 0, 1, 1], [], []>, precision = #tpu.contract_precision<fp32>, transpose_lhs_hint = false} : vector<32x32xf32>, vector<32x8xf32>, vector<32x8xf32> -> vector<32x8xf32>
      %slice3A_73 = vector.extract_strided_slice %dot_general3A_72 {offsets = [0, 0], sizes = [32, 1], strides = [1, 1]} : vector<32x8xf32> to vector<32x1xf32>
      %add3A_74 = vector.broadcast %slice3A_73 : vector<32x1xf32> to vector<32x128xf32>
      %add3A_75 = arith.addf %dot_general3A_61, %add3A_74 : vector<32x128xf32>
      %slice3A_76 = vector.extract_strided_slice %get3A_52 {offsets = [0, 0], sizes = [1, 1], strides = [1, 1]} : vector<32x128xf32> to vector<1x1xf32>
      %squeeze3A = vector.extract %slice3A_76[0, 0] : f32 from vector<1x1xf32>
      %mul3A_77 = arith.constant 0.00146520149 : f32
      %mul3A_78 = vector.broadcast %mul3A_77 : f32 to vector<32x128xf32>
      %mul3A_79 = arith.mulf %mul3A_78, %add3A_75 : vector<32x128xf32>
      %sub3A = vector.broadcast %squeeze3A : f32 to vector<32x128xf32>
      %sub3A_80 = arith.subf %get3A_52, %sub3A : vector<32x128xf32>
      %mul3A_81 = arith.constant 7.32600747E-4 : f32
      %mul3A_82 = vector.broadcast %mul3A_81 : f32 to vector<32x128xf32>
      %mul3A_83 = arith.mulf %mul3A_82, %sub3A_80 : vector<32x128xf32>
      %add3A_84 = arith.addf %mul3A_79, %mul3A_83 : vector<32x128xf32>
      %swap3A_85 = arith.constant 0 : index
      %swap3A_86 = arith.constant 0 : index
      %swap3A_87 = vector.load %arg8[%swap3A_85, %swap3A_86] : memref<32x128xf32, #tpu.memory_space<vmem>>, vector<32x128xf32>
      tpu.vector_store %arg8[%swap3A_85, %swap3A_86], %add3A_84 {strides = array<i32>} : memref<32x128xf32, #tpu.memory_space<vmem>>, vector<32x128xf32>,
    } else {
    }
    return
  }
  func.func @transform_0(%arg0: i32) -> (i32, i32) {
    %c0_i32 = arith.constant 0 : i32
    %c0_i32_0 = arith.constant 0 : i32
    %c0_i32_1 = arith.constant 0 : i32
    return %c0_i32, %c0_i32_0 : i32, i32
  }
  func.func @transform_1(%arg0: i32) -> (i32, i32) {
    %c0_i32 = arith.constant 0 : i32
    %c0_i32_0 = arith.constant 0 : i32
    %c0_i32_1 = arith.constant 0 : i32
    return %c0_i32, %c0_i32_0 : i32, i32
  }
  func.func @transform_2(%arg0: i32) -> (i32, i32) {
    %c0_i32 = arith.constant 0 : i32
    %c0_i32_0 = arith.constant 0 : i32
    %c0_i32_1 = arith.constant 0 : i32
    return %c0_i32, %c0_i32_0 : i32, i32
  }
  func.func @transform_3(%arg0: i32) -> (i32, i32) {
    %c0_i32 = arith.constant 0 : i32
    %c0_i32_0 = arith.constant 0 : i32
    %c0_i32_1 = arith.constant 0 : i32
    return %c0_i32, %c0_i32_0 : i32, i32
  }
  func.func @transform_4(%arg0: i32) -> (i32, i32) {
    %c0_i32 = arith.constant 0 : i32
    %c0_i32_0 = arith.constant 0 : i32
    %c0_i32_1 = arith.constant 0 : i32
    return %c0_i32, %c0_i32_0 : i32, i32
  }
  func.func @transform_5(%arg0: i32) -> (i32, i32) {
    %c0_i32 = arith.constant 0 : i32
    %c0_i32_0 = arith.constant 0 : i32
    %c0_i32_1 = arith.constant 0 : i32
    return %c0_i32, %c0_i32_0 : i32, i32
  }
  func.func @transform_6(%arg0: i32) -> (i32, i32) {
    %c0_i32 = arith.constant 0 : i32
    %c0_i32_0 = arith.constant 0 : i32
    %c0_i32_1 = arith.constant 0 : i32
    return %c0_i32, %c0_i32_0 : i32, i32
  }
  func.func @transform_7(%arg0: i32) -> (i32, i32) {
    %c0_i32 = arith.constant 0 : i32
    %c0_i32_0 = arith.constant 0 : i32
    %c0_i32_1 = arith.constant 0 : i32
    return %c0_i32, %c0_i32_0 : i32, i32
  }
}

module attributes {stable_mosaic.version = 14 : i64} {
  func.func @_norm_body(%arg0: memref<128x128xf32, #tpu.memory_space<vmem>>, %arg1: memref<1x1xf32, #tpu.memory_space<vmem>>, %arg2: memref<1x1xf32, #tpu.memory_space<vmem>>, %arg3: memref<128x128xf32, #tpu.memory_space<vmem>>) attributes {dimension_semantics = [], scalar_prefetch = 0 : i64, scratch_operands = 0 : i64, tpu.core_type = #tpu.core_type<tc>} {
    %get3A = arith.constant 0 : index
    %get3A_0 = arith.constant 0 : index
    %get3A_1 = vector.load %arg0[%get3A, %get3A_0] : memref<128x128xf32, #tpu.memory_space<vmem>>, vector<128x128xf32>
    %reduce_sum3A = vector.shape_cast %get3A_1 : vector<128x128xf32> to vector<1x128x128xf32>
    %reduce_sum3A_2 = arith.constant dense<0.000000e+00> : vector<1xf32>
    %reduce_sum3A_3 = vector.multi_reduction <add>, %reduce_sum3A, %reduce_sum3A_2 [1, 2] : vector<1x128x128xf32> to vector<1xf32>
    %reduce_sum3A_4 = vector.shape_cast %reduce_sum3A_3 : vector<1xf32> to vector<1x1x1xf32>
    %reduce_sum3A_5 = vector.extract %reduce_sum3A_4[0, 0, 0] : f32 from vector<1x1x1xf32>
    %mul3A = arith.constant 6.10351563E-5 : f32
    %mul3A_6 = arith.mulf %reduce_sum3A_5, %mul3A : f32
    %sub3A = vector.broadcast %mul3A_6 : f32 to vector<128x128xf32>
    %sub3A_7 = arith.subf %get3A_1, %sub3A : vector<128x128xf32>
    %mul3A_8 = arith.mulf %sub3A_7, %sub3A_7 : vector<128x128xf32>
    %reduce_sum3A_9 = vector.shape_cast %mul3A_8 : vector<128x128xf32> to vector<1x128x128xf32>
    %reduce_sum3A_10 = arith.constant dense<0.000000e+00> : vector<1xf32>
    %reduce_sum3A_11 = vector.multi_reduction <add>, %reduce_sum3A_9, %reduce_sum3A_10 [1, 2] : vector<1x128x128xf32> to vector<1xf32>
    %reduce_sum3A_12 = vector.shape_cast %reduce_sum3A_11 : vector<1xf32> to vector<1x1x1xf32>
    %reduce_sum3A_13 = vector.extract %reduce_sum3A_12[0, 0, 0] : f32 from vector<1x1x1xf32>
    %mul3A_14 = arith.constant 6.10388815E-5 : f32
    %mul3A_15 = arith.mulf %reduce_sum3A_13, %mul3A_14 : f32
    %sqrt3A = math.sqrt %mul3A_15 : f32
    %max3A = arith.constant 1.000000e-03 : f32
    %max3A_16 = arith.maximumf %sqrt3A, %max3A : f32
    %get3A_17 = arith.constant 0 : index
    %get3A_18 = arith.constant 0 : index
    %get3A_19 = vector.load %arg1[%get3A_17, %get3A_18] : memref<1x1xf32, #tpu.memory_space<vmem>>, vector<1x1xf32>
    %get3A_20 = vector.extract %get3A_19[0, 0] : f32 from vector<1x1xf32>
    %max3A_21 = arith.constant 0.000000e+00 : f32
    %max3A_22 = arith.maximumf %get3A_20, %max3A_21 : f32
    %abs3A = math.absf %get3A_20 : f32
    %neg3A = arith.constant 0.000000e+00 : f32
    %neg3A_23 = arith.subf %neg3A, %abs3A : f32
    %exp3A = math.exp %neg3A_23 : f32
    %add3A = arith.constant 1.000000e+00 : f32
    %add3A_24 = arith.addf %add3A, %exp3A : f32
    %log3A = math.log %add3A_24 : f32
    %add3A_25 = arith.addf %max3A_22, %log3A : f32
    %add3A_26 = arith.constant 1.000000e-03 : f32
    %add3A_27 = arith.addf %add3A_25, %add3A_26 : f32
    %add3A_28 = arith.constant 9.99999997E-7 : f32
    %add3A_29 = arith.addf %max3A_16, %add3A_28 : f32
    %div3A = arith.divf %add3A_27, %add3A_29 : f32
    %mul3A_30 = vector.broadcast %div3A : f32 to vector<128x128xf32>
    %mul3A_31 = arith.mulf %mul3A_30, %sub3A_7 : vector<128x128xf32>
    %get3A_32 = arith.constant 0 : index
    %get3A_33 = arith.constant 0 : index
    %get3A_34 = vector.load %arg2[%get3A_32, %get3A_33] : memref<1x1xf32, #tpu.memory_space<vmem>>, vector<1x1xf32>
    %get3A_35 = vector.extract %get3A_34[0, 0] : f32 from vector<1x1xf32>
    %add3A_36 = vector.broadcast %get3A_35 : f32 to vector<128x128xf32>
    %add3A_37 = arith.addf %mul3A_31, %add3A_36 : vector<128x128xf32>
    %swap3A = arith.constant 0 : index
    %swap3A_38 = arith.constant 0 : index
    %swap3A_39 = vector.load %arg3[%swap3A, %swap3A_38] : memref<128x128xf32, #tpu.memory_space<vmem>>, vector<128x128xf32>
    tpu.vector_store %arg3[%swap3A, %swap3A_38], %add3A_37 {strides = array<i32>} : memref<128x128xf32, #tpu.memory_space<vmem>>, vector<128x128xf32>,
    return
  }
}

</mosaic_0001>

<sc_bundles>
// kernel: kernel.5.cloned.1.call-start
scs
__scs_entry_jumppad:
0x0: {  	(pc) =	sbr.rel $0x88, $3  }
0x1: {  	(tag) =	ssettag $0x0;
	lr =	simm.s32 $0x1  }
0x2: {  	[smem:$0x3F98] =	sst lr;
	_ =	strace $0xD0000000  }
0x3: {  	_ = 	snop  }
0x4: {  	_ = 	snop  }
0x5: {  	_ = 	snop  }
0x6: {  	_ = 	snop  }
0x7: {  	_ = 	snop  }
__scs_overlays_trampoline_lowered:
0x8: {  	[smem:$0x3FA7] =	sst s0  }
0x9: {  	[smem:$0x3FA8] =	sst s1  }
0xa: {  	[smem:$0x3FA9] =	sst s2  }
0xb: {  	[smem:$0x3FAA] =	sst s3  }
0xc: {  	[smem:$0x3FAB] =	sst s4  }
0xd: {  	[smem:$0x3FAC] =	sst s5  }
0xe: {  	[smem:$0x3FAD] =	sst s6  }
0xf: {  	[smem:$0x3FAE] =	sst s7  }
0x10: {  	[smem:$0x3FAF] =	sst s8  }
0x11: {  	[smem:$0x3FB0] =	sst s9;
	s0 =	simm.s32 @!p0 $0x0  }
0x12: {  	s1 =	sld [smem:$0x3F96];
	s0 =	simm.s32 @p0 $0x1  }
0x13: {  	[smem:$0x3FB1] =	sst s0;
	s0 =	simm.s32 @!p1 $0x0  }
0x14: {  	s2 =	sld [smem:$0x3F95];
	s0 =	simm.s32 @p1 $0x1  }
0x15: {  	[smem:$0x3FB2] =	sst s0;
	s0 =	simm.s32 @!p2 $0x0  }
0x16: {  	s3 =	sld [smem:$0x3FDB];
	s0 =	simm.s32 @p2 $0x1  }
0x17: {  	s4 =	simm.s32 $0x1BF5;
	[smem:$0x3FB4] =	sst s0  }
0x18: {  	s0 =	sld [smem:$0x3F97];
	_ =	swait.ge [sflag:s4], $0x0  }
0x19: {  	s7 =	sld [smem:$0x3F98]  }
0x1a: {  	s8 =	sadd.s32 $0xFFFFE003, lr  }
0x1b: {  	s9 =	sadd.s32 $0xFFFFFEF7, lr;
	s5 =	simm.s32 $0xFFFFFFFF;
	p2 =	slt.u32 s8, $0xFFFFF086  }
0x1c: {  	p1 =	slt.u32 s9, $0xF7A;
	s5 =	simm.s32 @!p2 $0x0  }
0x1d: {  	s5 =	simm.s32 @p1 $0x1;
	p0 =	seq.s32 s7, s2  }
0x1e: {  	s7 =	smul.u32 @!p0 $0xF7A, s2;
	p2 =	seq.s32 @!p0 s5, $0x0  }
0x1f: {  	s9 =	smul.u32 $0xF7A, s1;
	s8 =	simm.s32 @!p0 $0x1BF5;
	p2 =	por !p2, p0  }
0x20: {  	[sflag:s8] =	ssyncset.s32 @!p0 $0xFFFFF086;
	s6 =	sadd.s32 @!p0 s3, s7;
	s7 =	simm.s32 @!p0 $0x108  }
0x21: {  	s3 =	sadd.s32 s3, s9;
	s6 =	sadd.s32 @!p0 $0x88, s6;
	s7 =	simm.s32 @p2 $0x1082  }
0x22: {  	[simem:s7], [sflag:s8] =	dma.local @!p0 [hbm:s6], $0xF7A  }
0x23: {  	s9 =	sor.u32 $0xD0000000, s2;
	s6 =	simm.s32 $0x108;
	_ =	swait.ge @!p0 [sflag:s8], $0x0  }
0x24: {  	s3 =	sadd.s32 $0x88, s3;
	s6 =	simm.s32 @!p1 $0x1082;
	[sflag:s4] =	ssyncset.s32 $0xFFFFF086  }
0x25: {  	[simem:s6], [sflag:s4] =	dma.local [hbm:s3], $0xF7A  }
0x26: {  	[smem:$0x3F98] =	sst s1;
	(tag) =	ssettag s2;
	_ =	strace s9  }
0x27: {  	s1 =	sld [smem:$0x3FA8]  }
0x28: {  	s2 =	sld [smem:$0x3FA9]  }
0x29: {  	s4 =	sld [smem:$0x3FAB]  }
0x2a: {  	p0 =	seq.s32 s5, $0x0;
	s5 =	sld [smem:$0x3FAC]  }
0x2b: {  	s6 =	sld [smem:$0x3FAD]  }
0x2c: {  	s7 =	sld [smem:$0x3FAE]  }
0x2d: {  	s3 =	simm.s32 $0x108;
	s8 =	sld [smem:$0x3FAF]  }
0x2e: {  	s3 =	simm.s32 @!p0 $0x1082;
	s9 =	sld [smem:$0x3FB0]  }
0x2f: {  	lr =	sadd.s32 s0, s3;
	s0 =	sld [smem:$0x3FA7]  }
0x30: {  	s3 =	sld [smem:$0x3FAA]  }
0x31: {  	[smem:$0x3FB3] =	sst s10  }
0x32: {  	s10 =	sld [smem:$0x3FB1];
	_ =	sdelay $0x3  }
0x33: {  	p0 =	seq.s32 s10, $0x1;
	s10 =	sld [smem:$0x3FB3];
	_ =	sdelay $0x3  }
0x34: {  	[smem:$0x3FB3] =	sst s10  }
0x35: {  	s10 =	sld [smem:$0x3FB2];
	_ =	sdelay $0x3  }
0x36: {  	p1 =	seq.s32 s10, $0x1;
	s10 =	sld [smem:$0x3FB3];
	_ =	sdelay $0x3  }
0x37: {  	[smem:$0x3FB3] =	sst s10  }
0x38: {  	s10 =	sld [smem:$0x3FB4]  }
0x39: {  	_ = 	snop;
	(pc) =	sbr.ind lr, $3  }
0x3a: {  	_ = 	snop  }
0x3b: {  	_ = 	snop  }
0x3c: {  	p2 =	seq.s32 s10, $0x1;
	s10 =	sld [smem:$0x3FB3]  }
0x3d: {  	_ =	shalt  }
0x3e: {  	_ =	shalt  }
0x3f: {  	_ =	shalt  }
0x40: {  	_ =	shalt  }
0x41: {  	_ =	shalt  }
0x42: {  	_ =	shalt  }
0x43: {  	_ =	shalt  }
0x44: {  	_ =	shalt  }
0x45: {  	_ =	shalt  }
0x46: {  	_ =	shalt  }
0x47: {  	_ =	shalt  }
0x48: {  	_ =	shalt  }
0x49: {  	_ =	shalt  }
0x4a: {  	_ =	shalt  }
0x4b: {  	_ =	shalt  }
0x4c: {  	_ =	shalt  }
0x4d: {  	_ =	shalt  }
0x4e: {  	_ =	shalt  }
0x4f: {  	_ =	shalt  }
0x50: {  	_ =	shalt  }
0x51: {  	_ =	shalt  }
0x52: {  	_ =	shalt  }
0x53: {  	_ =	shalt  }
0x54: {  	_ =	shalt  }
0x55: {  	_ =	shalt  }
0x56: {  	_ =	shalt  }
0x57: {  	_ =	shalt  }
0x58: {  	_ =	shalt  }
0x59: {  	_ =	shalt  }
0x5a: {  	_ =	shalt  }
0x5b: {  	_ =	shalt  }
0x5c: {  	_ =	shalt  }
0x5d: {  	_ =	shalt  }
0x5e: {  	_ =	shalt  }
0x5f: {  	_ =	shalt  }
0x60: {  	_ =	shalt  }
0x61: {  	_ =	shalt  }
0x62: {  	_ =	shalt  }
0x63: {  	_ =	shalt  }
0x64: {  	_ =	shalt  }
0x65: {  	_ =	shalt  }
0x66: {  	_ =	shalt  }
0x67: {  	_ =	shalt  }
0x68: {  	_ =	shalt  }
0x69: {  	_ =	shalt  }
0x6a: {  	_ =	shalt  }
0x6b: {  	_ =	shalt  }
0x6c: {  	_ =	shalt  }
0x6d: {  	_ =	shalt  }
0x6e: {  	_ =	shalt  }
0x6f: {  	_ =	shalt  }
0x70: {  	_ =	shalt  }
0x71: {  	_ =	shalt  }
0x72: {  	_ =	shalt  }
0x73: {  	_ =	shalt  }
0x74: {  	_ =	shalt  }
0x75: {  	_ =	shalt  }
0x76: {  	_ =	shalt  }
0x77: {  	_ =	shalt  }
0x78: {  	_ =	shalt  }
0x79: {  	_ =	shalt  }
0x7a: {  	_ =	shalt  }
0x7b: {  	_ =	shalt  }
0x7c: {  	_ =	shalt  }
0x7d: {  	_ =	shalt  }
0x7e: {  	_ =	shalt  }
0x7f: {  	_ =	shalt  }
0x80: {  	_ =	shalt  }
0x81: {  	_ =	shalt  }
0x82: {  	_ =	shalt  }
0x83: {  	_ =	shalt  }
0x84: {  	_ =	shalt  }
0x85: {  	_ =	shalt  }
0x86: {  	_ =	shalt  }
0x87: {  	_ =	shalt  }
.Lfunc_end0:
.L_simem_size_0:
called_computation_lowered:
.L_overlay_start_0:
0x88: {  	s2 =	sld [smem:$0x3FD9]  }
0x89: {  	s3 =	sld [smem:$0x3FFE];
	_ =	sdelay $0x1  }
0x8a: {  	s1 =	srdreg.scid  }
0x8b: {  	s0 =	sand.u32 $0x1, s1  }
0x8c: {  	s17 =	sshll.u32 s0, $0xA;
	s2 =	sadd.s32 s3, s2  }
0x8d: {  	s2 =	sadd.s32 s2, s17  }
0x8e: {  	[smem:$0x3FBF] =	sst s2  }
0x8f: {  	_ = 	snop  }
0x90: {  	s2 =	sld [smem:$0x3FC9]  }
0x91: {  	s18 =	sld [smem:$0x3FD0];
	(tm) =	ssettm $0x1  }
0x92: {  	s4 =	sld [smem:$0x3FFB];
	_ =	sdelay $0x3  }
0x93: {  	_ =	strace s4  }
0x94: {  	s4 =	sld [smem:$0x3FFC];
	_ =	sdelay $0x3  }
0x95: {  	_ =	strace s4  }
0x96: {  	s4 =	sld [smem:$0x3FFD];
	_ =	sdelay $0x3  }
0x97: {  	_ =	strace s4  }
0x98: {  	_ =	strace $0x8FFFFFFF  }
0x99: {  	s19 =	sld [smem:$0x3FDB];
	_ =	sdelay $0x1  }
0x9a: {  	s5 =	simm.s32 $_scs_section_size  }
0x9b: {  	s6 =	simm.s32 $_size__tile_overlayer_lowered;
	s7 =	simm.s32 $_tile_overlayer_lowered  }
0x9c: {  	s22 =	simm.s32 $0x1BFF;
	s21 =	sshll.u32 s7, $0x1;
	s4 =	sadd.s32 s5, s19  }
0x9d: {  	s8 =	simm.s32 $0x0;
	s20 =	sshll.u32 s6, $0x1;
	s6 =	sadd.s32 s21, s4  }
0x9e: {  	[timem:s8], [sflag:s22] =	dma.local [hbm:s6], s20  }
0x9f: {  	_ =	swait.ge [sflag:s22], s20  }
0xa0: {  	s5 =	ssub.s32 $0x0, s20;
	[sflag:s22] =	ssyncset.done $0x0  }
0xa1: {  	[sflag:s22] =	ssyncadd.s32 s5;
	_ =	sdelay $0x1  }
0xa2: {  	s23 =	simm.s32 $0x1B8B  }
0xa3: {  	_ =	swait.ge [sflag:s23], $0x1  }
0xa4: {  	[sflag:s23] =	ssyncset.done $0x0  }
0xa5: {  	s25 =	simm.s32 $0x1B8E;
	s24 =	sld [smem:$0x3FFE];
	[sflag:s23] =	ssyncadd.s32 $0xFFFFFFFF  }
0xa6: {  	s26 =	simm.s32 $execute0_lowered;
	[smem:$0x3FD2] =	sst s25  }
0xa7: {  	s6 =	sshll.u32 s26, $0x1;
	_ =	strace $0x80000046;
	[dreg:$0x1] =	wrdreg $0xFFFFFFFF  }
0xa8: {  	s28 =	simm.s32 $_size_execute0_lowered;
	s4 =	sadd.s32 s4, s6;
	[dreg:$0x0] =	wrdreg $0x0  }
0xa9: {  	s6 =	sshll.u32 s28, $0x1;
	[dreg:$0x2] =	wrdreg s4  }
0xaa: {  	[dreg:$0x3] =	wrdreg s6  }
0xab: {  	[dreg:$0x4] =	wrdreg $0xC0  }
0xac: {  	_ =	task [dreg:s8], $0x5FFFF  }
0xad: {  	[dreg:$0x1] =	wrdreg $0xFFFFFFFF  }
0xae: {  	[dreg:$0x0] =	wrdreg $0x60  }
0xaf: {  	[dreg:$0x2] =	wrdreg s24  }
0xb0: {  	[dreg:$0x3] =	wrdreg s2  }
0xb1: {  	[dreg:$0x4] =	wrdreg s18  }
0xb2: {  	[dreg:$0x5] =	wrdreg $0x9  }
0xb3: {  	_ =	task.clear_ibuf [dreg:s8], $0x6FFFF;
	_ =	strace $0x90000046  }
0xb4: {  	s29 =	simm.s32 $0x9;
	_ =	strace $0x80000048  }
0xb5: {  	_ =	swait.ge [sflag:s29], $0x1  }
0xb6: {  	[sflag:s29] =	ssyncadd.s32 $0xFFFFFFFF  }
0xb7: {  	_ =	strace $0x90000048  }
0xb8: {  	_ =	sfence  }
0xb9: {  	s30 =	sld [smem:$0x0];
	_ =	sdelay $0x2  }
0xba: {  	s31 =	sshll.u32 s1, $0xD;
	s1 =	sshrl.u32 s1, $0x2  }
0xbb: {  	s3 =	sand.u32 $0x4000, s31;
	s1 =	sadd.s32 s1, s30  }
0xbc: {  	s0 =	sor.u32 s3, s0;
	s1 =	sshll.u32 s1, $0x11  }
0xbd: {  	s0 =	sor.u32 s1, s0  }
0xbe: {  	s0 =	sadd.s32 $0x8F2B, s0  }
0xbf: {  	[sflag:s0] =	ssyncadd.remote.s32 $0x1  }
0xc0: {  	_ =	sfence.sel $0xFFFF  }
0xc1: {  	[dreg:$0x0] =	wrdreg $0xFFFFFFFF;
	(pc) =	sbr.abs _section_cstart, $3  }
0xc2: {  	[dreg:$0x1] =	wrdreg $0xFFFFFFFF  }
0xc3: {  	_ =	task.clear_ibuf [dreg:s8], $0x2FFFF;
	_ =	strace $0x9FFFFFFF  }
0xc4: {  	(tm) =	ssettm $0x7FFFFFFF  }
0xc5: {  	_ =	shalt  }
tec
execute0_lowered:
.L_overlay_start_1:
0x0: {  	(tag) =	ssettag $0x1  }
0x1: {  	s4 =	rddreg [dreg:$0x0]  }
0x2: {  	s5 =	rddreg [dreg:$0x1]  }
0x3: {  	s6 =	rddreg [dreg:$0x2]  }
0x4: {  	s0 =	rddreg [dreg:$0x3];
	s1 =	simm.s32 $0x0  }
0x5: {  	s7 =	srdreg.scid;
	s2 =	stileid.u32;
	s11 =	simm.s32 $0x2200  }
0x6: {  	s12 =	simm.s32 $0x0;
	[smem:$0x7FF] =	sst s1;
	s3 =	sadd.s32 $0x1400, s4  }
0x7: {  	s7 =	sand.u32 $0x1, s7;
	s9 =	sshll.u32 s2, $0x7;
	s4 =	sadd.s32 $0x1600, s4  }
0x8: {  	_ =	strace $0x80000047;
	s8 =	ssub.s32 $0x2, s7;
	s7 =	sshll.u32 s7, $0x6  }
0x9: {  	s10 =	sshrl.u32 s8, $0x1;
	s7 =	sor.u32 s7, s9;
	s9 =	simm.s32 $0x1000  }
0xa: {  	s8 =	ssub.s32 s8, s10;
	s5 =	sadd.s32 s5, s7;
	s6 =	sadd.s32 s6, s7  }
0xb: {  	s10 =	simm.s32 $0x2000;
	s7 =	smax.u32 s8, $0x1;
	s8 =	simm.s32 $0x1  }
.LBB2_1:
0xc: {  	[tilespmem:s1], [sflag:$0x1] =	stream.linear.gather [hbm4b:s3+s1], $0x1000, $0x38;
	[tilespmem:$0x2400] =	vst v63  }
0xd: {  	_ =	swait.ge [sflag:s8], $0x1000  }
0xe: {  	[sflag:s8] =	ssyncset.done $0x0  }
0xf: {  	[sflag:s8] =	ssyncadd.s32 $0xFFFFF000  }
0x10: {  	[tilespmem:s9], [sflag:$0x1] =	stream.linear.gather [hbm4b:s4+s1], $0x1000, $0x38;
	[tilespmem:$0x2400] =	vst v63  }
0x11: {  	_ =	swait.ge [sflag:s8], $0x1000  }
0x12: {  	[sflag:s8] =	ssyncset.done $0x0  }
0x13: {  	[sflag:s8] =	ssyncadd.s32 $0xFFFFF000  }
0x14: {  	[tilespmem:s10], [sflag:$0x1] =	stream.linear.gather [hbm4b:s5+s1], $0x200, $0x38;
	[tilespmem:$0x2400] =	vst v63  }
0x15: {  	_ =	swait.ge [sflag:s8], $0x200  }
0x16: {  	[sflag:s8] =	ssyncset.done $0x0  }
0x17: {  	s14 =	simm.s32 $0x0;
	[sflag:s8] =	ssyncadd.s32 $0xFFFFFE00  }
0x18: {  	v4 =	vld [tilespmem:s14+$0x2000];
	_ =	sdelay $0x4  }
0x19: {  	v5 =	vadd.f32 $3.000000000e+00, v4;
	_ =	sdelay $0x1  }
0x1a: {  	v0 =	vmul.f32 $6.825000000e+02, v5;
	_ =	sdelay $0x1  }
0x1b: {  	v1 =	vtrunc.f32 v0  }
0x1c: {  	v1 =	vcvt.f32.s32 v1;
	_ =	sdelay $0x1  }
0x1d: {  	vm0 =	vgt.s32 v1, $0x0  }
0x1e: {  	v1 =	vnsel vm0, $0x0, v1  }
0x1f: {  	s13 =	simm.s32 $0x10;
	v1 =	vmin.u32 v1, $0xFFE  }
0x20: {  	v3 =	vld [tilespmem:s13+$0x2000];
	_ =	sdelay $0x2  }
0x21: {  	v2 =	vld [tilespmem:$0x1FF0];
	v7 =	vcvt.s32.f32 v1  }
0x22: {  	v8 =	vld.idx.msk [tilespmem:v1+s9+$0x0], $0xffff  }
0x23: {  	v6 =	vadd.f32 $3.000000000e+00, v3;
	v0 =	vsub.f32 v0, v7  }
0x24: {  	v9 =	vld [tilespmem:$0xFF0]  }
0x25: {  	v7 =	vmul.f32 $6.825000000e+02, v6;
	v10 =	vmax.f32 v0, $0.0e+00  }
0x26: {  	v0 =	vbroadcast v2, $0xF;
	v2 =	vmin.f32 v10, $1.000000000e+00  }
0x27: {  	v11 =	vld.idx.msk [tilespmem:v1+s1+$0x0], $0xffff;
	v1 =	vtrunc.f32 v7;
	v2 =	vmul.f32 v2, v8  }
0x28: {  	v10 =	vcvt.f32.s32 v1  }
0x29: {  	v1 =	vbroadcast v9, $0xF;
	v8 =	vadd.f32 $-3.000000000e+00, v4;
	v9 =	vmul.f32 $1.465201490e-03, v2;
	v2 =	vld.msk [tilespmem:$0x1000 ss:$0x0], $0xffff;
	_ =	sdelay $0x1  }
0x2a: {  	vm15 =	vgt.s32 v10, $0x0;
	v12 =	vmul.f32 v8, v0  }
0x2b: {  	v8 =	vnsel vm15, $0x0, v10  }
0x2c: {  	s15 =	simm.s32 $0x20;
	s16 =	simm.s32 $0xC0;
	v8 =	vmin.u32 v8, $0xFFE;
	v9 =	vadd.f32 v9, v11;
	v10 =	vadd.f32 v12, v1  }
.LBB2_2:
0x2d: {  	p0 =	sne.s32 s16, $0x7C0;
	v11 =	vld [tilespmem:s15+$0x2000];
	v12 =	vmul.f32 v5, v2;
	vm0 =	vgt.f32 v4, $3.000000000e+00;
	v5 =	vmov v6  }
0x2e: {  	vm1 =	vlt.f32 v4, $-3.000000000e+00;
	v4 =	vmov v3;
	v6 =	vsel vm0, v10, v9  }
0x2f: {  	v3 =	vsel vm1, v12, v6  }
0x30: {  	[tilespmem:s14+$0x2200] =	vst v3;
	s14 =	smov.u32 s13;
	s13 =	smov.u32 s15  }
0x31: {  	v9 =	vcvt.s32.f32 v8;
	v10 =	vld.idx.msk [tilespmem:v8+s9+$0x0], $0xffff  }
0x32: {  	v6 =	vadd.f32 $3.000000000e+00, v11;
	v3 =	vmov v11  }
0x33: {  	v9 =	vsub.f32 v7, v9  }
0x34: {  	v7 =	vmul.f32 $6.825000000e+02, v6  }
0x35: {  	v9 =	vmax.f32 v9, $0.0e+00;
	v11 =	vld.idx.msk [tilespmem:v8+s1+$0x0], $0xffff  }
0x36: {  	v9 =	vmin.f32 v9, $1.000000000e+00;
	v8 =	vtrunc.f32 v7  }
.Ltmp0:
0x37: {  	v9 =	vmul.f32 v9, v10;
	v10 =	vadd.f32 $-3.000000000e+00, v4;
	v8 =	vcvt.f32.s32 v8;
	(pc) =	sbr.rel @p0 .LBB2_2-.Ltmp0, $4  }
0x38: {  	_ = 	snop  }
0x39: {  	v9 =	vmul.f32 $1.465201490e-03, v9;
	v10 =	vmul.f32 v10, v0;
	vm0 =	vgt.s32 v8, $0x0  }
0x3a: {  	v8 =	vnsel vm0, $0x0, v8  }
0x3b: {  	s15 =	sshra.s32 s16, $0x2;
	s16 =	sadd.s32 $0x40, s16;
	v9 =	vadd.f32 v9, v11;
	v10 =	vadd.f32 v10, v1;
	v8 =	vmin.u32 v8, $0xFFE  }
0x3c: {  	v11 =	vld [tilespmem:s15+$0x2000]  }
0x3d: {  	v5 =	vmul.f32 v5, v2;
	vm0 =	vgt.f32 v4, $3.000000000e+00  }
0x3e: {  	vm1 =	vlt.f32 v4, $-3.000000000e+00;
	v49 =	vsel vm0, v10, v9  }
0x3f: {  	v4 =	vsel vm1, v5, v49  }
0x40: {  	v50 =	vcvt.s32.f32 v8;
	[tilespmem:s14+$0x2200] =	vst v4  }
0x41: {  	v51 =	vld.idx.msk [tilespmem:v8+s9+$0x0], $0xffff;
	v52 =	vadd.f32 $3.000000000e+00, v11  }
0x42: {  	v4 =	vsub.f32 v7, v50  }
0x43: {  	v53 =	vmul.f32 $6.825000000e+02, v52  }
0x44: {  	v4 =	vmax.f32 v4, $0.0e+00  }
0x45: {  	v54 =	vld.idx.msk [tilespmem:v8+s1+$0x0], $0xffff;
	v4 =	vmin.f32 v4, $1.000000000e+00;
	v55 =	vtrunc.f32 v53  }
0x46: {  	v56 =	vadd.f32 $-3.000000000e+00, v3;
	v4 =	vmul.f32 v4, v51;
	v10 =	vcvt.f32.s32 v55;
	_ =	sdelay $0x1  }
0x47: {  	v5 =	vmul.f32 v56, v0;
	v4 =	vmul.f32 $1.465201490e-03, v4;
	vm11 =	vgt.s32 v10, $0x0  }
0x48: {  	v10 =	vnsel vm11, $0x0, v10  }
0x49: {  	v5 =	vadd.f32 v5, v1;
	v4 =	vadd.f32 v4, v54;
	v10 =	vmin.u32 v10, $0xFFE  }
0x4a: {  	v6 =	vmul.f32 v6, v2;
	vm12 =	vgt.f32 v3, $3.000000000e+00  }
0x4b: {  	vm13 =	vlt.f32 v3, $-3.000000000e+00;
	v57 =	vsel vm12, v5, v4  }
0x4c: {  	v3 =	vsel vm13, v6, v57  }
0x4d: {  	v58 =	vcvt.s32.f32 v10;
	[tilespmem:s13+$0x2200] =	vst v3  }
0x4e: {  	v59 =	vld.idx.msk [tilespmem:v10+s9+$0x0], $0xffff  }
0x4f: {  	v3 =	vsub.f32 v53, v58;
	_ =	sdelay $0x1  }
0x50: {  	v3 =	vmax.f32 v3, $0.0e+00  }
0x51: {  	v60 =	vld.idx.msk [tilespmem:v10+s1+$0x0], $0xffff;
	v3 =	vmin.f32 v3, $1.000000000e+00  }
0x52: {  	v61 =	vadd.f32 $-3.000000000e+00, v11;
	v3 =	vmul.f32 v3, v59;
	_ =	sdelay $0x1  }
0x53: {  	v62 =	vmul.f32 v61, v0;
	v3 =	vmul.f32 $1.465201490e-03, v3;
	_ =	sdelay $0x1  }
0x54: {  	v0 =	vadd.f32 v62, v1;
	v3 =	vadd.f32 v3, v60  }
0x55: {  	vm14 =	vgt.f32 v11, $3.000000000e+00;
	v63 =	vmul.f32 v52, v2  }
0x56: {  	s12 =	sadd.s32 $0x1, s12;
	vm15 =	vlt.f32 v11, $-3.000000000e+00;
	v0 =	vsel vm14, v0, v3  }
0x57: {  	p0 =	sne.s32 s12, s7;
	v0 =	vsel vm15, v63, v0  }
.Ltmp1:
0x58: {  	[tilespmem:s15+$0x2200] =	vst v0;
	(pc) =	sbr.rel @p0 .LBB2_1-.Ltmp1, $4  }
0x59: {  	[hbm4b:s6+s1] =	stream.linear.scatter [tilespmem:s11], [sflag:$0x1], $0x200, $0x38;
	[tilespmem:$0x2400] =	vst v63  }
0x5a: {  	_ =	swait.ge [sflag:s8], $0x200  }
0x5b: {  	[sflag:s8] =	ssyncset.done $0x0  }
0x5c: {  	[sflag:s8] =	ssyncadd.s32 $0xFFFFFE00  }
0x5d: {  	_ =	sfence.sel $0x180000  }
0x5e: {  	[bflag:$0x0] =	sbarrier.arrive $0xFFFF  }
0x5f: {  	p0 =	sne.s32 s2, $0x0;
	_ =	strace $0x90000047  }
0x60: {  	s0 =	sadd.s32 @!p0 $0x100000, s0;
	[bflag:$0x2] =	sbarrier.arrive $0xFFFF  }
0x61: {  	[sflag:s0] =	ssyncadd.tile.s32 @!p0 $0x1;
	_ =	shalt  }
.Lfunc_end2:
_tile_overlayer_lowered:
.L_overlay_start_2:
0x62: {  	(tag) =	ssettag $0x2  }
0x63: {  	s0 =	rddreg [dreg:$0x0];
	s2 =	stileid.u32  }
0x64: {  	s1 =	rddreg [dreg:$0x1];
	p0 =	sne.s32 s2, $0x0  }
0x65: {  	s3 =	rddreg [dreg:$0x2];
	[bflag:$0x3] =	sbarrier.arrive $0xFFFF;
	s2 =	simm.s32 @!p0 $0x1C01  }
0x66: {  	[timem:s3], [sflag:s2] =	dma.local @!p0 [hbm:s0], s1  }
0x67: {  	s0 =	simm.s32 @!p0 $0x1  }
0x68: {  	_ =	swait.ge @!p0 [sflag:s0], s1  }
0x69: {  	s1 =	ssub.s32 @!p0 $0x0, s1;
	[sflag:s0] =	ssyncset.done @!p0 $0x0  }
0x6a: {  	[sflag:s0] =	ssyncadd.s32 @!p0 s1  }
0x6b: {  	[bflag:$0x3] =	sbarrier.arrive $0xFFFF  }
0x6c: {  	_ =	shalt  }

</sc_bundles>
